<compile_context>
chip_gen: v7x
topology: tpu7x:2x2x1
jax: 0.10.2.dev20260603
libtpu: 0.0.44.dev20260713+nightly
codegen_flags: <defaults>
</compile_context>

<pallas_src>
import functools

import jax
import jax.numpy as jnp
import numpy as np
from jax import lax
from jax.experimental import pallas as pl
from jax.experimental.pallas import tpu as pltpu
from jax.experimental.pallas import tpu_sc as plsc

_VOCAB_SIZE = 32000
_PADDING_IDX = 0
_SMOOTHING = 0.1
_CONFIDENCE = np.float32(1.0 - _SMOOTHING)
_SMOOTH_VAL = np.float32(_SMOOTHING / (_VOCAB_SIZE - 2))

_SUB = 8
_LANE = 128
_CBLK = _VOCAB_SIZE // _LANE
_RB_BLK = 4
_NC = 2
_NS = 16
_LANES = 16


def _fill_body(tgt_ref, out_ref):
    t = tgt_ref[:, 0, :]
    tcol = t[:, None, :, None]
    shape = (_RB_BLK, _CBLK, _SUB, _LANE)
    col = (lax.broadcasted_iota(jnp.int32, shape, 1) * _LANE
           + lax.broadcasted_iota(jnp.int32, shape, 3))
    val = jnp.where((col == _PADDING_IDX) | (tcol == _PADDING_IDX),
                    jnp.float32(0.0), jnp.full((), _SMOOTH_VAL))
    out_ref[...] = val


def _sc_scatter_body(rows_per_sub, tgt_hbm, out_hbm, tgt_v, idx_v, vals_v,
                     sem):
    c = lax.axis_index("c")
    s = lax.axis_index("s")
    wid = s * _NC + c
    base = wid * rows_per_sub
    pltpu.sync_copy(tgt_hbm.at[pl.ds(base, rows_per_sub)], tgt_v)
    lane = lax.iota(jnp.int32, _LANES)
    for g in range(rows_per_sub // _LANES):
        t = tgt_v[pl.ds(g * _LANES, _LANES)]
        row = base + g * _LANES + lane
        idx = (((row >> 3) * _CBLK + (t >> 7)) << 10) \
            + ((row & 7) << 7) + (t & 127)
        idx_v[pl.ds(g * _LANES, _LANES)] = idx
        vals_v[pl.ds(g * _LANES, _LANES)] = jnp.where(
            t == _PADDING_IDX, jnp.float32(0.0),
            jnp.full((), _CONFIDENCE))
    pltpu.async_copy(vals_v, out_hbm.at[idx_v], sem).wait()


@jax.jit
def kernel(targets):
    batch_size, tgt_seq_len = targets.shape
    rows = batch_size * tgt_seq_len
    num_rb = rows // _SUB
    num_blocks = num_rb // _RB_BLK
    tgt_r = targets.reshape(num_rb, 1, _SUB)

    filled = pl.pallas_call(
        _fill_body,
        grid=(num_blocks,),
        in_specs=[pl.BlockSpec((_RB_BLK, 1, _SUB), lambda i: (i, 0, 0))],
        out_specs=pl.BlockSpec((_RB_BLK, _CBLK, _SUB, _LANE),
                               lambda i: (i, 0, 0, 0)),
        out_shape=jax.ShapeDtypeStruct((num_rb, _CBLK, _SUB, _LANE),
                                       jnp.float32),
    )(tgt_r)

    rows_per_sub = rows // (_NC * _NS)
    out_ref = jax.new_ref(filled.reshape(rows * _VOCAB_SIZE))
    mesh = plsc.VectorSubcoreMesh(
        core_axis_name="c", subcore_axis_name="s",
        num_cores=_NC, num_subcores=_NS)
    sc_scatter = pl.kernel(
        functools.partial(_sc_scatter_body, rows_per_sub),
        out_type=(),
        mesh=mesh,
        scratch_types=[
            pltpu.VMEM((rows_per_sub,), jnp.int32),
            pltpu.VMEM((rows_per_sub,), jnp.int32),
            pltpu.VMEM((rows_per_sub,), jnp.float32),
            pltpu.SemaphoreType.DMA,
        ],
    )
    sc_scatter(targets.reshape(rows), out_ref)
    out = out_ref[...].reshape(num_rb, _CBLK, _SUB, _LANE)
    out = out.transpose(0, 2, 1, 3).reshape(batch_size, tgt_seq_len,
                                            _VOCAB_SIZE)
    return out

# --- scband reference (transcript-rebuilt; emitter-appended) ---
"""Pipeline reference for scband-label-smoothing-4879082848527 (READ-ONLY COPY).

The authoritative reference and input builder live on the scoring server;
editing this copy changes nothing except your own understanding.
"""

import jax, jax.numpy as jnp
import numpy as np

VOCAB_SIZE = 32000
PADDING_IDX = 0
SMOOTHING = 0.1
CONFIDENCE = 1.0 - SMOOTHING


def setup_inputs(seed: int = 0) -> dict:
    key = jax.random.key(seed)
    targets = jax.random.randint(key, (1, 2048), 0, VOCAB_SIZE, dtype=jnp.int32)
    return {"targets": targets}


def reference(targets):
    batch_size, tgt_seq_len = targets.shape
    # fill with uniform smoothing mass over (vocab_size - 2) classes
    smoothed_probs = jnp.full(
        (batch_size, tgt_seq_len, VOCAB_SIZE),
        SMOOTHING / (VOCAB_SIZE - 2),
        dtype=jnp.float32,
    )
    # scatter-overwrite confidence at the target index along the vocab axis
    bi = jnp.arange(batch_size)[:, None]
    si = jnp.arange(tgt_seq_len)[None, :]
    smoothed_probs = smoothed_probs.at[bi, si, targets].set(CONFIDENCE)
    # zero out the padding-token column
    smoothed_probs = smoothed_probs.at[:, :, PADDING_IDX].set(0.0)
    # zero out the full distribution wherever the target itself is padding
    pad_mask = (targets == PADDING_IDX)[..., None]
    smoothed_probs = jnp.where(pad_mask, 0.0, smoothed_probs)
    return smoothed_probs

if __name__ == "__main__":
    import jax
    _d = setup_inputs()
    print(jax.jit(kernel)(*tuple(_d.values())))

</pallas_src>

<mosaic_0001>
#map = affine_map<(d0, d1) -> (0)>
module attributes {stable_mosaic.version = 14 : i64} {
  func.func @new_body(%arg0: i32, %arg1: i32, %arg2: memref<2048xi32, #tpu.memory_space<hbm>>, %arg3: memref<65536000xf32, #tpu.memory_space<hbm>>, %arg4: memref<65536000xf32, #tpu.memory_space<hbm>>, %arg5: memref<64xi32, #tpu.memory_space<vmem>>, %arg6: memref<64xi32, #tpu.memory_space<vmem>>, %arg7: memref<64xf32, #tpu.memory_space<vmem>>, %arg8: memref<!tpu.dma_semaphore, #tpu.memory_space<semaphore_mem>>) attributes {dimension_semantics = [#tpu.dimension_semantics<core_parallel>, #tpu.dimension_semantics<subcore_parallel>], iteration_bounds = array<i64: 2, 16>, scalar_prefetch = 0 : i64, scratch_operands = 4 : i64, tpu.core_type = #tpu.core_type<sc_vector_subcore>, window_params = [{transform_indices = #map}, {transform_indices = #map}, {transform_indices = #map}]} {
    %mul3A = arith.constant 2 : i32
    %mul3A_0 = arith.muli %arg1, %mul3A : i32
    %add3A = arith.addi %mul3A_0, %arg0 : i32
    %mul3A_1 = arith.constant 64 : i32
    %mul3A_2 = arith.muli %add3A, %mul3A_1 : i32
    "tpu.region"() ({
      %run_scoped3A = tpu.sem_alloc : memref<!tpu.dma_semaphore, #tpu.memory_space<semaphore_mem>>
      %dma_start3A_184 = tpu.memref_slice %arg2[%mul3A_2] : memref<2048xi32, #tpu.memory_space<hbm>> -> memref<64xi32, #tpu.memory_space<hbm>>
      %dma_start3A_185 = tpu.memref_slice %arg2[%mul3A_2] : memref<2048xi32, #tpu.memory_space<hbm>> -> memref<64xi32, #tpu.memory_space<hbm>>
      tpu.enqueue_dma source(%dma_start3A_185 : memref<64xi32, #tpu.memory_space<hbm>>) target(%arg5 : memref<64xi32, #tpu.memory_space<vmem>>) target_semaphore(%run_scoped3A : memref<!tpu.dma_semaphore, #tpu.memory_space<semaphore_mem>>)
      %dma_wait3A_186 = tpu.memref_slice %arg2[%mul3A_2] : memref<2048xi32, #tpu.memory_space<hbm>> -> memref<64xi32, #tpu.memory_space<hbm>>
      %dma_wait3A_187 = tpu.memref_slice %arg2[%mul3A_2] : memref<2048xi32, #tpu.memory_space<hbm>> -> memref<64xi32, #tpu.memory_space<hbm>>
      tpu.wait_dma2 semaphore(%run_scoped3A : memref<!tpu.dma_semaphore, #tpu.memory_space<semaphore_mem>>) src(%dma_wait3A_187 : memref<64xi32, #tpu.memory_space<hbm>>) dst(%arg5 : memref<64xi32, #tpu.memory_space<vmem>>)
      tpu.yield
    }) : () -> ()
    %iota3A = tpu.iota {dimensions = array<i32: 0>} : vector<16xi32>
    %get3A = arith.constant 0 : index
    %get3A_3 = tpu.vector_load %arg5[%get3A] {strides = array<i32>} : memref<64xi32, #tpu.memory_space<vmem>>, vector<16xi32>,
    %get3A_4 = vector.shape_cast %get3A_3 : vector<16xi32> to vector<16xi32>
    %add3A_5 = arith.constant 0 : i32
    %add3A_6 = arith.addi %mul3A_2, %add3A_5 : i32
    %add3A_7 = vector.broadcast %add3A_6 : i32 to vector<16xi32>
    %add3A_8 = arith.addi %add3A_7, %iota3A : vector<16xi32>
    %shift_right_arithmetic3A = arith.constant 3 : i32
    %shift_right_arithmetic3A_9 = vector.broadcast %shift_right_arithmetic3A : i32 to vector<16xi32>
    %shift_right_arithmetic3A_10 = arith.shrsi %add3A_8, %shift_right_arithmetic3A_9 : vector<16xi32>
    %mul3A_11 = arith.constant 250 : i32
    %mul3A_12 = vector.broadcast %mul3A_11 : i32 to vector<16xi32>
    %mul3A_13 = arith.muli %shift_right_arithmetic3A_10, %mul3A_12 : vector<16xi32>
    %shift_right_arithmetic3A_14 = arith.constant 7 : i32
    %shift_right_arithmetic3A_15 = vector.broadcast %shift_right_arithmetic3A_14 : i32 to vector<16xi32>
    %shift_right_arithmetic3A_16 = arith.shrsi %get3A_4, %shift_right_arithmetic3A_15 : vector<16xi32>
    %add3A_17 = arith.addi %mul3A_13, %shift_right_arithmetic3A_16 : vector<16xi32>
    %shift_left3A = arith.constant 10 : i32
    %shift_left3A_18 = vector.broadcast %shift_left3A : i32 to vector<16xi32>
    %shift_left3A_19 = arith.shli %add3A_17, %shift_left3A_18 : vector<16xi32>
    %and3A = arith.constant 7 : i32
    %and3A_20 = vector.broadcast %and3A : i32 to vector<16xi32>
    %and3A_21 = arith.andi %add3A_8, %and3A_20 : vector<16xi32>
    %shift_left3A_22 = arith.constant 7 : i32
    %shift_left3A_23 = vector.broadcast %shift_left3A_22 : i32 to vector<16xi32>
    %shift_left3A_24 = arith.shli %and3A_21, %shift_left3A_23 : vector<16xi32>
    %add3A_25 = arith.addi %shift_left3A_19, %shift_left3A_24 : vector<16xi32>
    %and3A_26 = arith.constant 127 : i32
    %and3A_27 = vector.broadcast %and3A_26 : i32 to vector<16xi32>
    %and3A_28 = arith.andi %get3A_4, %and3A_27 : vector<16xi32>
    %add3A_29 = arith.addi %add3A_25, %and3A_28 : vector<16xi32>
    %swap3A = arith.constant 0 : index
    %swap3A_30 = tpu.vector_load %arg6[%swap3A] {strides = array<i32>} : memref<64xi32, #tpu.memory_space<vmem>>, vector<16xi32>,
    %swap3A_31 = vector.shape_cast %swap3A_30 : vector<16xi32> to vector<16xi32>
    %swap3A_32 = vector.shape_cast %add3A_29 : vector<16xi32> to vector<16xi32>
    tpu.vector_store %arg6[%swap3A], %swap3A_32 {strides = array<i32>} : memref<64xi32, #tpu.memory_space<vmem>>, vector<16xi32>,
    %eq3A = arith.constant 0 : i32
    %eq3A_33 = vector.broadcast %eq3A : i32 to vector<16xi32>
    %eq3A_34 = arith.cmpi eq, %get3A_4, %eq3A_33 : vector<16xi32>
    %jit3A = arith.constant 0.000000e+00 : f32
    %jit3A_35 = arith.constant 0.899999976 : f32
    %broadcast_in_dim3A = vector.broadcast %jit3A : f32 to vector<16xf32>
    %broadcast_in_dim3A_36 = vector.broadcast %jit3A_35 : f32 to vector<16xf32>
    %select_n3A = arith.select %eq3A_34, %broadcast_in_dim3A, %broadcast_in_dim3A_36 : vector<16xi1>, vector<16xf32>
    %swap3A_37 = arith.constant 0 : index
    %swap3A_38 = tpu.vector_load %arg7[%swap3A_37] {strides = array<i32>} : memref<64xf32, #tpu.memory_space<vmem>>, vector<16xf32>,
    %swap3A_39 = vector.shape_cast %swap3A_38 : vector<16xf32> to vector<16xf32>
    %swap3A_40 = vector.shape_cast %select_n3A : vector<16xf32> to vector<16xf32>
    tpu.vector_store %arg7[%swap3A_37], %swap3A_40 {strides = array<i32>} : memref<64xf32, #tpu.memory_space<vmem>>, vector<16xf32>,
    %get3A_41 = arith.constant 16 : index
    %get3A_42 = tpu.vector_load %arg5[%get3A_41] {strides = array<i32>} : memref<64xi32, #tpu.memory_space<vmem>>, vector<16xi32>,
    %get3A_43 = vector.shape_cast %get3A_42 : vector<16xi32> to vector<16xi32>
    %add3A_44 = arith.constant 16 : i32
    %add3A_45 = arith.addi %mul3A_2, %add3A_44 : i32
    %add3A_46 = vector.broadcast %add3A_45 : i32 to vector<16xi32>
    %add3A_47 = arith.addi %add3A_46, %iota3A : vector<16xi32>
    %shift_right_arithmetic3A_48 = arith.constant 3 : i32
    %shift_right_arithmetic3A_49 = vector.broadcast %shift_right_arithmetic3A_48 : i32 to vector<16xi32>
    %shift_right_arithmetic3A_50 = arith.shrsi %add3A_47, %shift_right_arithmetic3A_49 : vector<16xi32>
    %mul3A_51 = arith.constant 250 : i32
    %mul3A_52 = vector.broadcast %mul3A_51 : i32 to vector<16xi32>
    %mul3A_53 = arith.muli %shift_right_arithmetic3A_50, %mul3A_52 : vector<16xi32>
    %shift_right_arithmetic3A_54 = arith.constant 7 : i32
    %shift_right_arithmetic3A_55 = vector.broadcast %shift_right_arithmetic3A_54 : i32 to vector<16xi32>
    %shift_right_arithmetic3A_56 = arith.shrsi %get3A_43, %shift_right_arithmetic3A_55 : vector<16xi32>
    %add3A_57 = arith.addi %mul3A_53, %shift_right_arithmetic3A_56 : vector<16xi32>
    %shift_left3A_58 = arith.constant 10 : i32
    %shift_left3A_59 = vector.broadcast %shift_left3A_58 : i32 to vector<16xi32>
    %shift_left3A_60 = arith.shli %add3A_57, %shift_left3A_59 : vector<16xi32>
    %and3A_61 = arith.constant 7 : i32
    %and3A_62 = vector.broadcast %and3A_61 : i32 to vector<16xi32>
    %and3A_63 = arith.andi %add3A_47, %and3A_62 : vector<16xi32>
    %shift_left3A_64 = arith.constant 7 : i32
    %shift_left3A_65 = vector.broadcast %shift_left3A_64 : i32 to vector<16xi32>
    %shift_left3A_66 = arith.shli %and3A_63, %shift_left3A_65 : vector<16xi32>
    %add3A_67 = arith.addi %shift_left3A_60, %shift_left3A_66 : vector<16xi32>
    %and3A_68 = arith.constant 127 : i32
    %and3A_69 = vector.broadcast %and3A_68 : i32 to vector<16xi32>
    %and3A_70 = arith.andi %get3A_43, %and3A_69 : vector<16xi32>
    %add3A_71 = arith.addi %add3A_67, %and3A_70 : vector<16xi32>
    %swap3A_72 = arith.constant 16 : index
    %swap3A_73 = tpu.vector_load %arg6[%swap3A_72] {strides = array<i32>} : memref<64xi32, #tpu.memory_space<vmem>>, vector<16xi32>,
    %swap3A_74 = vector.shape_cast %swap3A_73 : vector<16xi32> to vector<16xi32>
    %swap3A_75 = vector.shape_cast %add3A_71 : vector<16xi32> to vector<16xi32>
    tpu.vector_store %arg6[%swap3A_72], %swap3A_75 {strides = array<i32>} : memref<64xi32, #tpu.memory_space<vmem>>, vector<16xi32>,
    %eq3A_76 = arith.constant 0 : i32
    %eq3A_77 = vector.broadcast %eq3A_76 : i32 to vector<16xi32>
    %eq3A_78 = arith.cmpi eq, %get3A_43, %eq3A_77 : vector<16xi32>
    %jit3A_79 = arith.constant 0.000000e+00 : f32
    %jit3A_80 = arith.constant 0.899999976 : f32
    %broadcast_in_dim3A_81 = vector.broadcast %jit3A_79 : f32 to vector<16xf32>
    %broadcast_in_dim3A_82 = vector.broadcast %jit3A_80 : f32 to vector<16xf32>
    %select_n3A_83 = arith.select %eq3A_78, %broadcast_in_dim3A_81, %broadcast_in_dim3A_82 : vector<16xi1>, vector<16xf32>
    %swap3A_84 = arith.constant 16 : index
    %swap3A_85 = tpu.vector_load %arg7[%swap3A_84] {strides = array<i32>} : memref<64xf32, #tpu.memory_space<vmem>>, vector<16xf32>,
    %swap3A_86 = vector.shape_cast %swap3A_85 : vector<16xf32> to vector<16xf32>
    %swap3A_87 = vector.shape_cast %select_n3A_83 : vector<16xf32> to vector<16xf32>
    tpu.vector_store %arg7[%swap3A_84], %swap3A_87 {strides = array<i32>} : memref<64xf32, #tpu.memory_space<vmem>>, vector<16xf32>,
    %get3A_88 = arith.constant 32 : index
    %get3A_89 = tpu.vector_load %arg5[%get3A_88] {strides = array<i32>} : memref<64xi32, #tpu.memory_space<vmem>>, vector<16xi32>,
    %get3A_90 = vector.shape_cast %get3A_89 : vector<16xi32> to vector<16xi32>
    %add3A_91 = arith.constant 32 : i32
    %add3A_92 = arith.addi %mul3A_2, %add3A_91 : i32
    %add3A_93 = vector.broadcast %add3A_92 : i32 to vector<16xi32>
    %add3A_94 = arith.addi %add3A_93, %iota3A : vector<16xi32>
    %shift_right_arithmetic3A_95 = arith.constant 3 : i32
    %shift_right_arithmetic3A_96 = vector.broadcast %shift_right_arithmetic3A_95 : i32 to vector<16xi32>
    %shift_right_arithmetic3A_97 = arith.shrsi %add3A_94, %shift_right_arithmetic3A_96 : vector<16xi32>
    %mul3A_98 = arith.constant 250 : i32
    %mul3A_99 = vector.broadcast %mul3A_98 : i32 to vector<16xi32>
    %mul3A_100 = arith.muli %shift_right_arithmetic3A_97, %mul3A_99 : vector<16xi32>
    %shift_right_arithmetic3A_101 = arith.constant 7 : i32
    %shift_right_arithmetic3A_102 = vector.broadcast %shift_right_arithmetic3A_101 : i32 to vector<16xi32>
    %shift_right_arithmetic3A_103 = arith.shrsi %get3A_90, %shift_right_arithmetic3A_102 : vector<16xi32>
    %add3A_104 = arith.addi %mul3A_100, %shift_right_arithmetic3A_103 : vector<16xi32>
    %shift_left3A_105 = arith.constant 10 : i32
    %shift_left3A_106 = vector.broadcast %shift_left3A_105 : i32 to vector<16xi32>
    %shift_left3A_107 = arith.shli %add3A_104, %shift_left3A_106 : vector<16xi32>
    %and3A_108 = arith.constant 7 : i32
    %and3A_109 = vector.broadcast %and3A_108 : i32 to vector<16xi32>
    %and3A_110 = arith.andi %add3A_94, %and3A_109 : vector<16xi32>
    %shift_left3A_111 = arith.constant 7 : i32
    %shift_left3A_112 = vector.broadcast %shift_left3A_111 : i32 to vector<16xi32>
    %shift_left3A_113 = arith.shli %and3A_110, %shift_left3A_112 : vector<16xi32>
    %add3A_114 = arith.addi %shift_left3A_107, %shift_left3A_113 : vector<16xi32>
    %and3A_115 = arith.constant 127 : i32
    %and3A_116 = vector.broadcast %and3A_115 : i32 to vector<16xi32>
    %and3A_117 = arith.andi %get3A_90, %and3A_116 : vector<16xi32>
    %add3A_118 = arith.addi %add3A_114, %and3A_117 : vector<16xi32>
    %swap3A_119 = arith.constant 32 : index
    %swap3A_120 = tpu.vector_load %arg6[%swap3A_119] {strides = array<i32>} : memref<64xi32, #tpu.memory_space<vmem>>, vector<16xi32>,
    %swap3A_121 = vector.shape_cast %swap3A_120 : vector<16xi32> to vector<16xi32>
    %swap3A_122 = vector.shape_cast %add3A_118 : vector<16xi32> to vector<16xi32>
    tpu.vector_store %arg6[%swap3A_119], %swap3A_122 {strides = array<i32>} : memref<64xi32, #tpu.memory_space<vmem>>, vector<16xi32>,
    %eq3A_123 = arith.constant 0 : i32
    %eq3A_124 = vector.broadcast %eq3A_123 : i32 to vector<16xi32>
    %eq3A_125 = arith.cmpi eq, %get3A_90, %eq3A_124 : vector<16xi32>
    %jit3A_126 = arith.constant 0.000000e+00 : f32
    %jit3A_127 = arith.constant 0.899999976 : f32
    %broadcast_in_dim3A_128 = vector.broadcast %jit3A_126 : f32 to vector<16xf32>
    %broadcast_in_dim3A_129 = vector.broadcast %jit3A_127 : f32 to vector<16xf32>
    %select_n3A_130 = arith.select %eq3A_125, %broadcast_in_dim3A_128, %broadcast_in_dim3A_129 : vector<16xi1>, vector<16xf32>
    %swap3A_131 = arith.constant 32 : index
    %swap3A_132 = tpu.vector_load %arg7[%swap3A_131] {strides = array<i32>} : memref<64xf32, #tpu.memory_space<vmem>>, vector<16xf32>,
    %swap3A_133 = vector.shape_cast %swap3A_132 : vector<16xf32> to vector<16xf32>
    %swap3A_134 = vector.shape_cast %select_n3A_130 : vector<16xf32> to vector<16xf32>
    tpu.vector_store %arg7[%swap3A_131], %swap3A_134 {strides = array<i32>} : memref<64xf32, #tpu.memory_space<vmem>>, vector<16xf32>,
    %get3A_135 = arith.constant 48 : index
    %get3A_136 = tpu.vector_load %arg5[%get3A_135] {strides = array<i32>} : memref<64xi32, #tpu.memory_space<vmem>>, vector<16xi32>,
    %get3A_137 = vector.shape_cast %get3A_136 : vector<16xi32> to vector<16xi32>
    %add3A_138 = arith.constant 48 : i32
    %add3A_139 = arith.addi %mul3A_2, %add3A_138 : i32
    %add3A_140 = vector.broadcast %add3A_139 : i32 to vector<16xi32>
    %add3A_141 = arith.addi %add3A_140, %iota3A : vector<16xi32>
    %shift_right_arithmetic3A_142 = arith.constant 3 : i32
    %shift_right_arithmetic3A_143 = vector.broadcast %shift_right_arithmetic3A_142 : i32 to vector<16xi32>
    %shift_right_arithmetic3A_144 = arith.shrsi %add3A_141, %shift_right_arithmetic3A_143 : vector<16xi32>
    %mul3A_145 = arith.constant 250 : i32
    %mul3A_146 = vector.broadcast %mul3A_145 : i32 to vector<16xi32>
    %mul3A_147 = arith.muli %shift_right_arithmetic3A_144, %mul3A_146 : vector<16xi32>
    %shift_right_arithmetic3A_148 = arith.constant 7 : i32
    %shift_right_arithmetic3A_149 = vector.broadcast %shift_right_arithmetic3A_148 : i32 to vector<16xi32>
    %shift_right_arithmetic3A_150 = arith.shrsi %get3A_137, %shift_right_arithmetic3A_149 : vector<16xi32>
    %add3A_151 = arith.addi %mul3A_147, %shift_right_arithmetic3A_150 : vector<16xi32>
    %shift_left3A_152 = arith.constant 10 : i32
    %shift_left3A_153 = vector.broadcast %shift_left3A_152 : i32 to vector<16xi32>
    %shift_left3A_154 = arith.shli %add3A_151, %shift_left3A_153 : vector<16xi32>
    %and3A_155 = arith.constant 7 : i32
    %and3A_156 = vector.broadcast %and3A_155 : i32 to vector<16xi32>
    %and3A_157 = arith.andi %add3A_141, %and3A_156 : vector<16xi32>
    %shift_left3A_158 = arith.constant 7 : i32
    %shift_left3A_159 = vector.broadcast %shift_left3A_158 : i32 to vector<16xi32>
    %shift_left3A_160 = arith.shli %and3A_157, %shift_left3A_159 : vector<16xi32>
    %add3A_161 = arith.addi %shift_left3A_154, %shift_left3A_160 : vector<16xi32>
    %and3A_162 = arith.constant 127 : i32
    %and3A_163 = vector.broadcast %and3A_162 : i32 to vector<16xi32>
    %and3A_164 = arith.andi %get3A_137, %and3A_163 : vector<16xi32>
    %add3A_165 = arith.addi %add3A_161, %and3A_164 : vector<16xi32>
    %swap3A_166 = arith.constant 48 : index
    %swap3A_167 = tpu.vector_load %arg6[%swap3A_166] {strides = array<i32>} : memref<64xi32, #tpu.memory_space<vmem>>, vector<16xi32>,
    %swap3A_168 = vector.shape_cast %swap3A_167 : vector<16xi32> to vector<16xi32>
    %swap3A_169 = vector.shape_cast %add3A_165 : vector<16xi32> to vector<16xi32>
    tpu.vector_store %arg6[%swap3A_166], %swap3A_169 {strides = array<i32>} : memref<64xi32, #tpu.memory_space<vmem>>, vector<16xi32>,
    %eq3A_170 = arith.constant 0 : i32
    %eq3A_171 = vector.broadcast %eq3A_170 : i32 to vector<16xi32>
    %eq3A_172 = arith.cmpi eq, %get3A_137, %eq3A_171 : vector<16xi32>
    %jit3A_173 = arith.constant 0.000000e+00 : f32
    %jit3A_174 = arith.constant 0.899999976 : f32
    %broadcast_in_dim3A_175 = vector.broadcast %jit3A_173 : f32 to vector<16xf32>
    %broadcast_in_dim3A_176 = vector.broadcast %jit3A_174 : f32 to vector<16xf32>
    %select_n3A_177 = arith.select %eq3A_172, %broadcast_in_dim3A_175, %broadcast_in_dim3A_176 : vector<16xi1>, vector<16xf32>
    %swap3A_178 = arith.constant 48 : index
    %swap3A_179 = tpu.vector_load %arg7[%swap3A_178] {strides = array<i32>} : memref<64xf32, #tpu.memory_space<vmem>>, vector<16xf32>,
    %swap3A_180 = vector.shape_cast %swap3A_179 : vector<16xf32> to vector<16xf32>
    %swap3A_181 = vector.shape_cast %select_n3A_177 : vector<16xf32> to vector<16xf32>
    tpu.vector_store %arg7[%swap3A_178], %swap3A_181 {strides = array<i32>} : memref<64xf32, #tpu.memory_space<vmem>>, vector<16xf32>,
    %dma_start3A = arith.constant 0 : i32
    %dma_start3A_182 = tpu.memref_slice %arg3[%dma_start3A] : memref<65536000xf32, #tpu.memory_space<hbm>> -> memref<65536000xf32, #tpu.memory_space<hbm>>
    tpu.enqueue_indirect_dma source(%arg7 : memref<64xf32, #tpu.memory_space<vmem>>) target(%dma_start3A_182 : memref<65536000xf32, #tpu.memory_space<hbm>>) offsets(%arg6 : memref<64xi32, #tpu.memory_space<vmem>>) semaphore(%arg8 : memref<!tpu.dma_semaphore, #tpu.memory_space<semaphore_mem>>)
    %dma_wait3A = arith.constant 0 : i32
    %dma_wait3A_183 = tpu.memref_slice %arg3[%dma_wait3A] : memref<65536000xf32, #tpu.memory_space<hbm>> -> memref<65536000xf32, #tpu.memory_space<hbm>>
    tpu.wait_indirect_dma semaphore(%arg8 : memref<!tpu.dma_semaphore, #tpu.memory_space<semaphore_mem>>) src(%arg7 : memref<64xf32, #tpu.memory_space<vmem>>) dst(%dma_wait3A_183 : memref<65536000xf32, #tpu.memory_space<hbm>>)
    return
  }
}

module attributes {stable_mosaic.version = 14 : i64} {
  func.func @_fill_body(%arg0: i32, %arg1: memref<4x1x8xi32, #tpu.memory_space<vmem>>, %arg2: memref<4x250x8x128xf32, #tpu.memory_space<vmem>>) attributes {dimension_semantics = [#tpu.dimension_semantics<arbitrary>], iteration_bounds = array<i64: 64>, scalar_prefetch = 0 : i64, scratch_operands = 0 : i64, tpu.core_type = #tpu.core_type<tc>, window_params = [{transform_indices = @transform_0, window_bounds = array<i64: 4, 1, 8>}, {transform_indices = @transform_1, window_bounds = array<i64: 4, 250, 8, 128>}]} {
    %get3A = arith.constant 0 : index
    %get3A_0 = arith.constant 0 : index
    %get3A_1 = arith.constant 0 : index
    %get3A_2 = vector.load %arg1[%get3A, %get3A_0, %get3A_1] : memref<4x1x8xi32, #tpu.memory_space<vmem>>, vector<4x1x8xi32>
    %get3A_3 = vector.shape_cast %get3A_2 : vector<4x1x8xi32> to vector<4x8xi32>
    %broadcast_in_dim3A = vector.shape_cast %get3A_3 : vector<4x8xi32> to vector<4x1x8x1xi32>
    %iota3A = tpu.iota {dimensions = array<i32: 1>} : vector<4x250x8x128xi32>
    %mul3A = arith.constant 128 : i32
    %mul3A_4 = vector.broadcast %mul3A : i32 to vector<4x250x8x128xi32>
    %mul3A_5 = arith.muli %iota3A, %mul3A_4 : vector<4x250x8x128xi32>
    %iota3A_6 = tpu.iota {dimensions = array<i32: 3>} : vector<4x250x8x128xi32>
    %add3A = arith.addi %mul3A_5, %iota3A_6 : vector<4x250x8x128xi32>
    %eq3A = arith.constant 0 : i32
    %eq3A_7 = vector.broadcast %eq3A : i32 to vector<4x250x8x128xi32>
    %eq3A_8 = arith.cmpi eq, %add3A, %eq3A_7 : vector<4x250x8x128xi32>
    %eq3A_9 = arith.constant 0 : i32
    %eq3A_10 = vector.broadcast %eq3A_9 : i32 to vector<4x1x8x1xi32>
    %eq3A_11 = arith.cmpi eq, %broadcast_in_dim3A, %eq3A_10 : vector<4x1x8x1xi32>
    %or3A = vector.broadcast %eq3A_11 : vector<4x1x8x1xi1> to vector<4x250x8x128xi1>
    %or3A_12 = arith.ori %eq3A_8, %or3A : vector<4x250x8x128xi1>
    %jit3A = arith.constant 0.000000e+00 : f32
    %jit3A_13 = arith.constant 3.12519524E-6 : f32
    %broadcast_in_dim3A_14 = vector.broadcast %jit3A : f32 to vector<4x250x8x128xf32>
    %broadcast_in_dim3A_15 = vector.broadcast %jit3A_13 : f32 to vector<4x250x8x128xf32>
    %select_n3A = arith.select %or3A_12, %broadcast_in_dim3A_14, %broadcast_in_dim3A_15 : vector<4x250x8x128xi1>, vector<4x250x8x128xf32>
    %swap3A = arith.constant 0 : index
    %swap3A_16 = arith.constant 0 : index
    %swap3A_17 = arith.constant 0 : index
    %swap3A_18 = arith.constant 0 : index
    %swap3A_19 = vector.load %arg2[%swap3A, %swap3A_16, %swap3A_17, %swap3A_18] : memref<4x250x8x128xf32, #tpu.memory_space<vmem>>, vector<4x250x8x128xf32>
    tpu.vector_store %arg2[%swap3A, %swap3A_16, %swap3A_17, %swap3A_18], %select_n3A {strides = array<i32>} : memref<4x250x8x128xf32, #tpu.memory_space<vmem>>, vector<4x250x8x128xf32>,
    return
  }
  func.func @transform_0(%arg0: i32) -> (i32, i32, i32) {
    %c0_i32 = arith.constant 0 : i32
    %c0_i32_0 = arith.constant 0 : i32
    %c0_i32_1 = arith.constant 0 : i32
    return %arg0, %c0_i32, %c0_i32_0 : i32, i32, i32
  }
  func.func @transform_1(%arg0: i32) -> (i32, i32, i32, i32) {
    %c0_i32 = arith.constant 0 : i32
    %c0_i32_0 = arith.constant 0 : i32
    %c0_i32_1 = arith.constant 0 : i32
    %c0_i32_2 = arith.constant 0 : i32
    return %arg0, %c0_i32, %c0_i32_0, %c0_i32_1 : i32, i32, i32, i32
  }
}

</mosaic_0001>

<sc_bundles>
// kernel: kernel.4.cloned.1.call-start
scs
__scs_entry_jumppad:
0x0: {  	(pc) =	sbr.rel $0x88, $3  }
0x1: {  	(tag) =	ssettag $0x0;
	lr =	simm.s32 $0x1  }
0x2: {  	[smem:$0x3FA0] =	sst lr;
	_ =	strace $0xD0000000  }
0x3: {  	_ = 	snop  }
0x4: {  	_ = 	snop  }
0x5: {  	_ = 	snop  }
0x6: {  	_ = 	snop  }
0x7: {  	_ = 	snop  }
__scs_overlays_trampoline_lowered:
0x8: {  	[smem:$0x3FAF] =	sst s0  }
0x9: {  	[smem:$0x3FB0] =	sst s1  }
0xa: {  	[smem:$0x3FB1] =	sst s2  }
0xb: {  	[smem:$0x3FB2] =	sst s3  }
0xc: {  	[smem:$0x3FB3] =	sst s4  }
0xd: {  	[smem:$0x3FB4] =	sst s5  }
0xe: {  	[smem:$0x3FB5] =	sst s6  }
0xf: {  	[smem:$0x3FB6] =	sst s7  }
0x10: {  	[smem:$0x3FB7] =	sst s8  }
0x11: {  	[smem:$0x3FB8] =	sst s9;
	s0 =	simm.s32 @!p0 $0x0  }
0x12: {  	s1 =	sld [smem:$0x3F9E];
	s0 =	simm.s32 @p0 $0x1  }
0x13: {  	[smem:$0x3FB9] =	sst s0;
	s0 =	simm.s32 @!p1 $0x0  }
0x14: {  	s2 =	sld [smem:$0x3F9D];
	s0 =	simm.s32 @p1 $0x1  }
0x15: {  	[smem:$0x3FBA] =	sst s0;
	s0 =	simm.s32 @!p2 $0x0  }
0x16: {  	s3 =	sld [smem:$0x3FDB];
	s0 =	simm.s32 @p2 $0x1  }
0x17: {  	s4 =	simm.s32 $0x1BF5;
	[smem:$0x3FBC] =	sst s0  }
0x18: {  	s0 =	sld [smem:$0x3F9F];
	_ =	swait.ge [sflag:s4], $0x0  }
0x19: {  	s7 =	sld [smem:$0x3FA0]  }
0x1a: {  	s8 =	sadd.s32 $0xFFFFE003, lr  }
0x1b: {  	s9 =	sadd.s32 $0xFFFFFEF7, lr;
	s5 =	simm.s32 $0xFFFFFFFF;
	p2 =	slt.u32 s8, $0xFFFFF086  }
0x1c: {  	p1 =	slt.u32 s9, $0xF7A;
	s5 =	simm.s32 @!p2 $0x0  }
0x1d: {  	s5 =	simm.s32 @p1 $0x1;
	p0 =	seq.s32 s7, s2  }
0x1e: {  	s7 =	smul.u32 @!p0 $0xF7A, s2;
	p2 =	seq.s32 @!p0 s5, $0x0  }
0x1f: {  	s9 =	smul.u32 $0xF7A, s1;
	s8 =	simm.s32 @!p0 $0x1BF5;
	p2 =	por !p2, p0  }
0x20: {  	[sflag:s8] =	ssyncset.s32 @!p0 $0xFFFFF086;
	s6 =	sadd.s32 @!p0 s3, s7;
	s7 =	simm.s32 @!p0 $0x108  }
0x21: {  	s3 =	sadd.s32 s3, s9;
	s6 =	sadd.s32 @!p0 $0x88, s6;
	s7 =	simm.s32 @p2 $0x1082  }
0x22: {  	[simem:s7], [sflag:s8] =	dma.local @!p0 [hbm:s6], $0xF7A  }
0x23: {  	s9 =	sor.u32 $0xD0000000, s2;
	s6 =	simm.s32 $0x108;
	_ =	swait.ge @!p0 [sflag:s8], $0x0  }
0x24: {  	s3 =	sadd.s32 $0x88, s3;
	s6 =	simm.s32 @!p1 $0x1082;
	[sflag:s4] =	ssyncset.s32 $0xFFFFF086  }
0x25: {  	[simem:s6], [sflag:s4] =	dma.local [hbm:s3], $0xF7A  }
0x26: {  	[smem:$0x3FA0] =	sst s1;
	(tag) =	ssettag s2;
	_ =	strace s9  }
0x27: {  	s1 =	sld [smem:$0x3FB0]  }
0x28: {  	s2 =	sld [smem:$0x3FB1]  }
0x29: {  	s4 =	sld [smem:$0x3FB3]  }
0x2a: {  	p0 =	seq.s32 s5, $0x0;
	s5 =	sld [smem:$0x3FB4]  }
0x2b: {  	s6 =	sld [smem:$0x3FB5]  }
0x2c: {  	s7 =	sld [smem:$0x3FB6]  }
0x2d: {  	s3 =	simm.s32 $0x108;
	s8 =	sld [smem:$0x3FB7]  }
0x2e: {  	s3 =	simm.s32 @!p0 $0x1082;
	s9 =	sld [smem:$0x3FB8]  }
0x2f: {  	lr =	sadd.s32 s0, s3;
	s0 =	sld [smem:$0x3FAF]  }
0x30: {  	s3 =	sld [smem:$0x3FB2]  }
0x31: {  	[smem:$0x3FBB] =	sst s10  }
0x32: {  	s10 =	sld [smem:$0x3FB9];
	_ =	sdelay $0x3  }
0x33: {  	p0 =	seq.s32 s10, $0x1;
	s10 =	sld [smem:$0x3FBB];
	_ =	sdelay $0x3  }
0x34: {  	[smem:$0x3FBB] =	sst s10  }
0x35: {  	s10 =	sld [smem:$0x3FBA];
	_ =	sdelay $0x3  }
0x36: {  	p1 =	seq.s32 s10, $0x1;
	s10 =	sld [smem:$0x3FBB];
	_ =	sdelay $0x3  }
0x37: {  	[smem:$0x3FBB] =	sst s10  }
0x38: {  	s10 =	sld [smem:$0x3FBC]  }
0x39: {  	_ = 	snop;
	(pc) =	sbr.ind lr, $3  }
0x3a: {  	_ = 	snop  }
0x3b: {  	_ = 	snop  }
0x3c: {  	p2 =	seq.s32 s10, $0x1;
	s10 =	sld [smem:$0x3FBB]  }
0x3d: {  	_ =	shalt  }
0x3e: {  	_ =	shalt  }
0x3f: {  	_ =	shalt  }
0x40: {  	_ =	shalt  }
0x41: {  	_ =	shalt  }
0x42: {  	_ =	shalt  }
0x43: {  	_ =	shalt  }
0x44: {  	_ =	shalt  }
0x45: {  	_ =	shalt  }
0x46: {  	_ =	shalt  }
0x47: {  	_ =	shalt  }
0x48: {  	_ =	shalt  }
0x49: {  	_ =	shalt  }
0x4a: {  	_ =	shalt  }
0x4b: {  	_ =	shalt  }
0x4c: {  	_ =	shalt  }
0x4d: {  	_ =	shalt  }
0x4e: {  	_ =	shalt  }
0x4f: {  	_ =	shalt  }
0x50: {  	_ =	shalt  }
0x51: {  	_ =	shalt  }
0x52: {  	_ =	shalt  }
0x53: {  	_ =	shalt  }
0x54: {  	_ =	shalt  }
0x55: {  	_ =	shalt  }
0x56: {  	_ =	shalt  }
0x57: {  	_ =	shalt  }
0x58: {  	_ =	shalt  }
0x59: {  	_ =	shalt  }
0x5a: {  	_ =	shalt  }
0x5b: {  	_ =	shalt  }
0x5c: {  	_ =	shalt  }
0x5d: {  	_ =	shalt  }
0x5e: {  	_ =	shalt  }
0x5f: {  	_ =	shalt  }
0x60: {  	_ =	shalt  }
0x61: {  	_ =	shalt  }
0x62: {  	_ =	shalt  }
0x63: {  	_ =	shalt  }
0x64: {  	_ =	shalt  }
0x65: {  	_ =	shalt  }
0x66: {  	_ =	shalt  }
0x67: {  	_ =	shalt  }
0x68: {  	_ =	shalt  }
0x69: {  	_ =	shalt  }
0x6a: {  	_ =	shalt  }
0x6b: {  	_ =	shalt  }
0x6c: {  	_ =	shalt  }
0x6d: {  	_ =	shalt  }
0x6e: {  	_ =	shalt  }
0x6f: {  	_ =	shalt  }
0x70: {  	_ =	shalt  }
0x71: {  	_ =	shalt  }
0x72: {  	_ =	shalt  }
0x73: {  	_ =	shalt  }
0x74: {  	_ =	shalt  }
0x75: {  	_ =	shalt  }
0x76: {  	_ =	shalt  }
0x77: {  	_ =	shalt  }
0x78: {  	_ =	shalt  }
0x79: {  	_ =	shalt  }
0x7a: {  	_ =	shalt  }
0x7b: {  	_ =	shalt  }
0x7c: {  	_ =	shalt  }
0x7d: {  	_ =	shalt  }
0x7e: {  	_ =	shalt  }
0x7f: {  	_ =	shalt  }
0x80: {  	_ =	shalt  }
0x81: {  	_ =	shalt  }
0x82: {  	_ =	shalt  }
0x83: {  	_ =	shalt  }
0x84: {  	_ =	shalt  }
0x85: {  	_ =	shalt  }
0x86: {  	_ =	shalt  }
0x87: {  	_ =	shalt  }
.Lfunc_end0:
.L_simem_size_0:
called_computation_lowered:
.L_overlay_start_0:
0x88: {  	s2 =	sld [smem:$0x3FD9]  }
0x89: {  	s3 =	sld [smem:$0x3FFE];
	_ =	sdelay $0x1  }
0x8a: {  	s1 =	srdreg.scid  }
0x8b: {  	s0 =	sand.u32 $0x1, s1  }
0x8c: {  	s18 =	sshll.u32 s0, $0xA;
	s2 =	sadd.s32 s3, s2  }
0x8d: {  	s2 =	sadd.s32 s2, s18  }
0x8e: {  	[smem:$0x3FC7] =	sst s2  }
0x8f: {  	_ = 	snop  }
0x90: {  	s2 =	sld [smem:$0x3FC9]  }
0x91: {  	s19 =	sld [smem:$0x3FD0];
	(tm) =	ssettm $0x1  }
0x92: {  	s4 =	sld [smem:$0x3FFB];
	_ =	sdelay $0x3  }
0x93: {  	_ =	strace s4  }
0x94: {  	s4 =	sld [smem:$0x3FFC];
	_ =	sdelay $0x3  }
0x95: {  	_ =	strace s4  }
0x96: {  	s4 =	sld [smem:$0x3FFD];
	_ =	sdelay $0x3  }
0x97: {  	_ =	strace s4  }
0x98: {  	_ =	strace $0x8FFFFFFF  }
0x99: {  	s20 =	sld [smem:$0x3FDB];
	_ =	sdelay $0x1  }
0x9a: {  	s5 =	simm.s32 $_scs_section_size  }
0x9b: {  	s6 =	simm.s32 $_size__tile_overlayer_lowered;
	s7 =	simm.s32 $_tile_overlayer_lowered  }
0x9c: {  	s23 =	simm.s32 $0x1BFF;
	s22 =	sshll.u32 s7, $0x1;
	s4 =	sadd.s32 s5, s20  }
0x9d: {  	s8 =	simm.s32 $0x0;
	s21 =	sshll.u32 s6, $0x1;
	s6 =	sadd.s32 s22, s4  }
0x9e: {  	[timem:s8], [sflag:s23] =	dma.local [hbm:s6], s21  }
0x9f: {  	_ =	swait.ge [sflag:s23], s21  }
0xa0: {  	s5 =	ssub.s32 $0x0, s21;
	[sflag:s23] =	ssyncset.done $0x0  }
0xa1: {  	[sflag:s23] =	ssyncadd.s32 s5;
	_ =	sdelay $0x1  }
0xa2: {  	s24 =	simm.s32 $0x1B8B  }
0xa3: {  	_ =	swait.ge [sflag:s24], $0x1  }
0xa4: {  	[sflag:s24] =	ssyncset.done $0x0  }
0xa5: {  	s25 =	simm.s32 $0x1B8E;
	[sflag:s24] =	ssyncadd.s32 $0xFFFFFFFF  }
0xa6: {  	s26 =	simm.s32 $execute0_lowered;
	[smem:$0x3FD2] =	sst s25  }
0xa7: {  	s5 =	sshll.u32 s26, $0x1;
	_ =	strace $0x80000046;
	[dreg:$0x1] =	wrdreg $0xFFFFFFFF  }
0xa8: {  	s28 =	simm.s32 $_size_execute0_lowered;
	s4 =	sadd.s32 s4, s5;
	[dreg:$0x0] =	wrdreg $0x0  }
0xa9: {  	s5 =	sshll.u32 s28, $0x1;
	[dreg:$0x2] =	wrdreg s4  }
0xaa: {  	[dreg:$0x3] =	wrdreg s5  }
0xab: {  	[dreg:$0x4] =	wrdreg $0xC0  }
0xac: {  	_ =	task [dreg:s8], $0x5FFFF  }
0xad: {  	[dreg:$0x1] =	wrdreg $0xFFFFFFFF  }
0xae: {  	[dreg:$0x0] =	wrdreg $0x60  }
0xaf: {  	[dreg:$0x2] =	wrdreg s2  }
0xb0: {  	[dreg:$0x3] =	wrdreg s19  }
0xb1: {  	[dreg:$0x4] =	wrdreg $0x9  }
0xb2: {  	_ =	task.clear_ibuf [dreg:s8], $0x5FFFF;
	_ =	strace $0x90000046  }
0xb3: {  	s29 =	simm.s32 $0x9;
	_ =	strace $0x80000048  }
0xb4: {  	_ =	swait.ge [sflag:s29], $0x1  }
0xb5: {  	[sflag:s29] =	ssyncadd.s32 $0xFFFFFFFF  }
0xb6: {  	_ =	strace $0x90000048  }
0xb7: {  	_ =	sfence  }
0xb8: {  	s30 =	sld [smem:$0x0];
	_ =	sdelay $0x2  }
0xb9: {  	s31 =	sshll.u32 s1, $0xD;
	s1 =	sshrl.u32 s1, $0x2  }
0xba: {  	s3 =	sand.u32 $0x4000, s31;
	s1 =	sadd.s32 s1, s30  }
0xbb: {  	s0 =	sor.u32 s3, s0;
	s1 =	sshll.u32 s1, $0x11  }
0xbc: {  	s0 =	sor.u32 s1, s0  }
0xbd: {  	s0 =	sadd.s32 $0x8F2B, s0  }
0xbe: {  	[sflag:s0] =	ssyncadd.remote.s32 $0x1  }
0xbf: {  	_ =	sfence.sel $0xFFFF  }
0xc0: {  	[dreg:$0x0] =	wrdreg $0xFFFFFFFF;
	(pc) =	sbr.abs _section_cstart, $3  }
0xc1: {  	[dreg:$0x1] =	wrdreg $0xFFFFFFFF  }
0xc2: {  	_ =	task.clear_ibuf [dreg:s8], $0x2FFFF;
	_ =	strace $0x9FFFFFFF  }
0xc3: {  	(tm) =	ssettm $0x7FFFFFFF  }
tec
execute0_lowered:
.L_overlay_start_1:
0x0: {  	(tag) =	ssettag $0x1  }
0x1: {  	s1 =	srdreg.scid  }
0x2: {  	s4 =	rddreg [dreg:$0x0];
	s0 =	stileid.u32;
	s5 =	sand.u32 $0x1, s1  }
0x3: {  	s2 =	rddreg [dreg:$0x1];
	s6 =	sshll.u32 s0, $0x7;
	s7 =	sshll.u32 s5, $0x6  }
0x4: {  	s3 =	simm.s32 $0x0;
	s1 =	rddreg [dreg:$0x2];
	s8 =	sor.u32 s7, s6  }
0x5: {  	[smem:$0x7FF] =	sst s3;
	s6 =	sshrl.u32 s8, $0x3  }
0x6: {  	_ =	strace $0x80000047;
	s7 =	simm.s32 $0x2;
	s6 =	sadd.s32 s4, s6  }
0x7: {  	[tilespmem:s3], [sflag:$0x2] =	stream.linear.gather [hbm4b:s6+s3], $0x40, $0x38;
	[tilespmem:$0x180] =	vst v63  }
0x8: {  	_ =	swait.ge [sflag:s7], $0x40  }
0x9: {  	[sflag:s7] =	ssyncset.done $0x0  }
0xa: {  	[sflag:s7] =	ssyncadd.s32 $0xFFFFFFC0  }
0xb: {  	v0 =	vlaneseq.u32;
	s5 =	ssub.s32 $0x2, s5;
	v12 =	vld [tilespmem:$0x30]  }
0xc: {  	v1 =	vor.u32 s8, v0;
	s29 =	sor.u32 $0x10, s8;
	s30 =	sor.u32 $0x20, s8;
	s8 =	sor.u32 $0x30, s8  }
0xd: {  	s31 =	sshrl.u32 s5, $0x1;
	v5 =	vor.u32 s8, v0  }
0xe: {  	s4 =	ssub.s32 s5, s31;
	v6 =	vshrl.u32 v5, $0x3  }
0xf: {  	s10 =	smax.u32 s4, $0x1;
	v6 =	vmul.u32 $0xFA, v6;
	v4 =	vld [tilespmem:$0x20]  }
0x10: {  	v1 =	vshrl.u32 v1, $0x3;
	v2 =	vor.u32 s30, v0;
	p0 =	sne.s32 s10, $0x1;
	v7 =	vld [tilespmem:$0x10];
	v8 =	vshrl.u32 v12, $0x7  }
.Ltmp0:
0x11: {  	v3 =	vmul.u32 $0xFA, v1;
	v1 =	vor.u32 s29, v0;
	v11 =	vadd.s32 v6, v8;
	v8 =	vld [tilespmem:$0x0];
	(pc) =	sbr.rel @!p0 .LBB2_2-.Ltmp0, $4  }
0x12: {  	v2 =	vshrl.u32 v2, $0x3;
	v0 =	vand.u32 $0x7, v0;
	v1 =	vshrl.u32 v1, $0x3  }
0x13: {  	v5 =	vmul.u32 $0xFA, v2;
	v0 =	vmul.u32 $0x80, v0;
	v2 =	vimm.f32 $8.999999760e-01  }
0x14: {  	s9 =	simm.s32 $0x100;
	s5 =	simm.s32 $0x80;
	v1 =	vmul.u32 $0xFA, v1;
	v9 =	vshrl.u32 v4, $0x7;
	v10 =	vand.u32 $0x7F, v12  }
0x15: {  	s8 =	simm.s32 $0x1;
	s4 =	simm.s32 $0x40;
	s10 =	sadd.s32 $0xFFFFFFFF, s10;
	vm0 =	veq.s32 v12, $0x0;
	v9 =	vadd.s32 v5, v9;
	v11 =	vshll.u32 v11, $0xA  }
.LBB2_1:
0x16: {  	p0 =	sne.s32 s10, $0x1;
	s10 =	sadd.s32 $0xFFFFFFFF, s10;
	vm1 =	veq.s32 v8, $0x0;
	v12 =	vand.u32 $0x7F, v7;
	v13 =	vsel vm0, $0x0, v2  }
0x17: {  	v14 =	vshrl.u32 v8, $0x7;
	v16 =	vshrl.u32 v7, $0x7;
	v15 =	vsel vm1, $0x0, v2;
	[tilespmem:$0x130] =	vst v13  }
0x18: {  	v10 =	vor.u32 v10, v11;
	v13 =	vadd.s32 v3, v14;
	v14 =	vand.u32 $0x7F, v4;
	[tilespmem:$0x100] =	vst v15  }
0x19: {  	v8 =	vand.u32 $0x7F, v8;
	v9 =	vshll.u32 v9, $0xA;
	v11 =	vshll.u32 v13, $0xA  }
0x1a: {  	v10 =	vor.u32 v0, v10;
	v9 =	vor.u32 v14, v9;
	v8 =	vor.u32 v8, v11  }
0x1b: {  	v11 =	vadd.s32 v1, v16;
	v9 =	vor.u32 v0, v9;
	v8 =	vor.u32 v0, v8;
	[tilespmem:$0xB0] =	vst v10  }
0x1c: {  	vm0 =	veq.s32 v7, $0x0;
	vm1 =	veq.s32 v4, $0x0;
	[tilespmem:$0x80] =	vst v8;
	v8 =	vshll.u32 v11, $0xA  }
0x1d: {  	v7 =	vsel vm0, $0x0, v2;
	v4 =	vor.u32 v12, v8;
	[tilespmem:$0xA0] =	vst v9;
	v8 =	vsel vm1, $0x0, v2  }
0x1e: {  	v4 =	vor.u32 v0, v4;
	[tilespmem:$0x110] =	vst v7  }
0x1f: {  	[tilespmem:$0x120] =	vst v8  }
0x20: {  	[tilespmem:$0x90] =	vst v4  }
0x21: {  	[hbm4b:s2+s4] =	stream.indirect.scatter [tilespmem:s9], [sflag:$0x1], $0x1, s5, s4, $0xb8;
	[tilespmem:$0x180] =	vst v63  }
0x22: {  	_ =	swait.ge [sflag:s8], $0x40  }
0x23: {  	[sflag:s8] =	ssyncset.done $0x0  }
0x24: {  	[sflag:s8] =	ssyncadd.s32 $0xFFFFFFC0  }
0x25: {  	[tilespmem:s3], [sflag:$0x2] =	stream.linear.gather [hbm4b:s6+s3], $0x40, $0x38;
	[tilespmem:$0x180] =	vst v63  }
0x26: {  	_ =	swait.ge [sflag:s7], $0x40  }
0x27: {  	[sflag:s7] =	ssyncset.done $0x0  }
0x28: {  	[sflag:s7] =	ssyncadd.s32 $0xFFFFFFC0  }
0x29: {  	v12 =	vld [tilespmem:$0x30]  }
0x2a: {  	v4 =	vld [tilespmem:$0x20]  }
0x2b: {  	v7 =	vld [tilespmem:$0x10]  }
.Ltmp1:
0x2c: {  	v8 =	vld [tilespmem:$0x0];
	(pc) =	sbr.rel @p0 .LBB2_1-.Ltmp1, $4  }
0x2d: {  	_ = 	snop  }
0x2e: {  	v9 =	vshrl.u32 v12, $0x7  }
0x2f: {  	v10 =	vand.u32 $0x7F, v12;
	v11 =	vshrl.u32 v4, $0x7;
	v13 =	vadd.s32 v6, v9  }
0x30: {  	vm0 =	veq.s32 v12, $0x0;
	v9 =	vadd.s32 v5, v11;
	v11 =	vshll.u32 v13, $0xA  }
.LBB2_2:
0x31: {  	vm1 =	veq.s32 v8, $0x0  }
0x32: {  	v5 =	vand.u32 $0x7F, v7;
	v6 =	vsel vm0, $0x0, v2;
	v12 =	vshrl.u32 v8, $0x7  }
0x33: {  	v56 =	vand.u32 $0x7F, v4;
	v57 =	vor.u32 v10, v11;
	v58 =	vand.u32 $0x7F, v8  }
0x34: {  	v9 =	vshll.u32 v9, $0xA;
	v59 =	vshrl.u32 v7, $0x7;
	v13 =	vsel vm1, $0x0, v2;
	[tilespmem:$0x130] =	vst v6  }
0x35: {  	vm14 =	veq.s32 v7, $0x0;
	vm15 =	veq.s32 v4, $0x0;
	v6 =	vor.u32 v0, v57;
	[tilespmem:$0x100] =	vst v13  }
0x36: {  	v3 =	vadd.s32 v3, v12;
	v9 =	vor.u32 v56, v9;
	v61 =	vsel vm14, $0x0, v2;
	[tilespmem:$0xB0] =	vst v6  }
0x37: {  	v1 =	vadd.s32 v1, v59;
	v62 =	vsel vm15, $0x0, v2;
	v3 =	vshll.u32 v3, $0xA;
	[tilespmem:$0x110] =	vst v61  }
0x38: {  	v60 =	vor.u32 v0, v9;
	v1 =	vshll.u32 v1, $0xA;
	[tilespmem:$0x120] =	vst v62;
	v3 =	vor.u32 v58, v3  }
0x39: {  	[tilespmem:$0xA0] =	vst v60;
	v1 =	vor.u32 v5, v1;
	v3 =	vor.u32 v0, v3  }
0x3a: {  	v63 =	vor.u32 v0, v1;
	[tilespmem:$0x80] =	vst v3  }
0x3b: {  	[tilespmem:$0x90] =	vst v63  }
0x3c: {  	[hbm4b:s2+s4] =	stream.indirect.scatter [tilespmem:s9], [sflag:$0x1], $0x1, s5, s4, $0xb8;
	[tilespmem:$0x180] =	vst v63  }
0x3d: {  	_ =	swait.ge [sflag:s8], $0x40  }
0x3e: {  	[sflag:s8] =	ssyncset.done $0x0  }
0x3f: {  	[sflag:s8] =	ssyncadd.s32 $0xFFFFFFC0  }
0x40: {  	_ =	sfence.sel $0x180000  }
0x41: {  	[bflag:$0x0] =	sbarrier.arrive $0xFFFF  }
0x42: {  	p0 =	sne.s32 s0, $0x0;
	_ =	strace $0x90000047  }
0x43: {  	s0 =	sadd.s32 @!p0 $0x100000, s1;
	[bflag:$0x2] =	sbarrier.arrive $0xFFFF  }
0x44: {  	[sflag:s0] =	ssyncadd.tile.s32 @!p0 $0x1;
	_ =	shalt  }
.Lfunc_end2:
_tile_overlayer_lowered:
.L_overlay_start_2:
0x45: {  	(tag) =	ssettag $0x2  }
0x46: {  	s0 =	rddreg [dreg:$0x0];
	s2 =	stileid.u32  }
0x47: {  	s1 =	rddreg [dreg:$0x1];
	p0 =	sne.s32 s2, $0x0  }
0x48: {  	s3 =	rddreg [dreg:$0x2];
	[bflag:$0x3] =	sbarrier.arrive $0xFFFF;
	s2 =	simm.s32 @!p0 $0x1C02  }
0x49: {  	[timem:s3], [sflag:s2] =	dma.local @!p0 [hbm:s0], s1  }
0x4a: {  	s0 =	simm.s32 @!p0 $0x2  }
0x4b: {  	_ =	swait.ge @!p0 [sflag:s0], s1  }
0x4c: {  	s1 =	ssub.s32 @!p0 $0x0, s1;
	[sflag:s0] =	ssyncset.done @!p0 $0x0  }
0x4d: {  	[sflag:s0] =	ssyncadd.s32 @!p0 s1  }
0x4e: {  	[bflag:$0x3] =	sbarrier.arrive $0xFFFF  }
0x4f: {  	_ =	shalt  }

</sc_bundles>
